<compile_context>
chip_gen: v7x
topology: tpu7x:2x2x1
jax: 0.10.2.dev20260603
libtpu: 0.0.44.dev20260713+nightly
codegen_flags: <defaults>
</compile_context>

<pallas_src>
import functools

import jax
import jax.numpy as jnp
from jax import lax
from jax.experimental import pallas as pl
from jax.experimental.pallas import tpu as pltpu
from jax.experimental.pallas import tpu_sc as plsc

NUM_REL = 500
EMB = 128
TD = 32
E = 128

_NW = 16
_RPW = E // _NW


def _sc_gather_body(sidx_hbm, nidx_hbm, emb_e_hbm,
                    src_rows_out, node_out,
                    idx_v, idx_n, rows_v, rows_n, sem_a, sem_n):
  wid = lax.axis_index("s")
  cp = pltpu.async_copy(sidx_hbm.at[wid], idx_v, sem_a)

  @pl.when(wid == 0)
  def _():
    pltpu.async_copy(nidx_hbm, idx_n, sem_n)

  cp.wait()
  g = pltpu.async_copy(emb_e_hbm.at[idx_v], rows_v, sem_a)

  @pl.when(wid == 0)
  def _():
    pltpu.make_async_copy(nidx_hbm, idx_n, sem_n).wait()
    pltpu.async_copy(emb_e_hbm.at[idx_n], rows_n, sem_n)

  g.wait()
  o = pltpu.async_copy(rows_v, src_rows_out.at[pl.ds(wid * _RPW, _RPW)], sem_a)

  @pl.when(wid == 0)
  def _():
    pltpu.make_async_copy(emb_e_hbm.at[idx_n], rows_n, sem_n).wait()
    pltpu.sync_copy(rows_n.at[pl.ds(0, 2)], node_out)

  o.wait()


def _make_sc_gather():
  return functools.partial(
      pl.kernel,
      out_type=[
          jax.ShapeDtypeStruct((E, EMB), jnp.float32),
          jax.ShapeDtypeStruct((2, EMB), jnp.float32),
      ],
      mesh=plsc.VectorSubcoreMesh(core_axis_name="c", subcore_axis_name="s",
                                  num_cores=1),
      scratch_types=[
          pltpu.VMEM((_RPW,), jnp.int32),
          pltpu.VMEM((8,), jnp.int32),
          pltpu.VMEM((_RPW, EMB), jnp.float32),
          pltpu.VMEM((8, EMB), jnp.float32),
          pltpu.SemaphoreType.DMA,
          pltpu.SemaphoreType.DMA,
      ],
  )(_sc_gather_body)


def _tc_body(pair_ref, ei_ref, et_ref, srcr_ref, node_ref, embr_ref, ts_ref,
             freq_ref, phase_ref, wm_ref, ws_ref, out_ref):
  pv = pair_ref[...]
  dsti = ei_ref[1:2, :]
  t_emb = jnp.cos(ts_ref[...] * freq_ref[...] + phase_ref[...])
  rel_onehot = (et_ref[...] == lax.broadcasted_iota(jnp.int32, (E, NUM_REL), 1)
                ).astype(jnp.float32)
  rel_rows = jnp.dot(rel_onehot, embr_ref[...],
                     preferred_element_type=jnp.float32)
  prod = srcr_ref[...] * rel_rows
  w1 = wm_ref[0:EMB, :]
  w2 = wm_ref[EMB:EMB + TD, :]

  def one_side(col):
    m = (dsti == pv[:, col:col + 1]).astype(jnp.float32)
    s_prod = jnp.dot(m, prod, preferred_element_type=jnp.float32)
    s_t = jnp.dot(m, t_emb, preferred_element_type=jnp.float32)
    inv_deg = 1.0 / jnp.maximum(jnp.sum(m), 1.0)
    agg = (jnp.dot(s_prod, w1, preferred_element_type=jnp.float32)
           + jnp.dot(s_t, w2, preferred_element_type=jnp.float32)
           ) * inv_deg
    self_t = jnp.dot(node_ref[col:col + 1, :], ws_ref[...],
                     preferred_element_type=jnp.float32)
    return jnp.maximum(agg + self_t, 0.0)

  out_ref[:, 0:EMB] = one_side(0)
  out_ref[:, EMB:2 * EMB] = one_side(1)


def kernel(one_pair, edge_index, edge_type, edge_ts, emb_e, emb_r, W_msg,
           W_self, t_freq, t_phase):
  ei = edge_index.astype(jnp.int32)
  etype = edge_type.astype(jnp.int32)
  pair = one_pair.astype(jnp.int32)
  sidx = ei[0].reshape(_NW, _RPW)
  nidx = jnp.concatenate([pair[0, :2], jnp.zeros((6,), jnp.int32)])

  src_rows, node = _make_sc_gather()(sidx, nidx, emb_e)

  out = pl.pallas_call(
      _tc_body,
      out_shape=jax.ShapeDtypeStruct((1, 2 * EMB), jnp.float32),
  )(pair, ei, etype.reshape(E, 1), src_rows, node, emb_r,
    edge_ts.astype(jnp.float32).reshape(E, 1), t_freq.reshape(1, TD),
    t_phase.reshape(1, TD), W_msg, W_self)
  return out

# --- scband reference (transcript-rebuilt; emitter-appended) ---
"""Pipeline reference for scband-most-87943750353150 (READ-ONLY COPY).

The authoritative reference and input builder live on the scoring server;
editing this copy changes nothing except your own understanding.
"""

import jax, jax.numpy as jnp
import numpy as np

NUM_ENT = 100000
NUM_REL = 500
EMB = 128
TD = 32
E = 128  # 2 * num_sample (sub-side + obj-side sampled support edges)


def setup_inputs(seed: int = 0) -> dict:
    key = jax.random.key(seed)
    ks = jax.random.split(key, 10)
    one_pair = jax.random.randint(ks[0], (1, 3), 0, NUM_ENT)
    edge_src = jax.random.randint(ks[1], (E,), 0, NUM_ENT)
    sub = one_pair[0, 0]
    obj = one_pair[0, 1]
    # sample_srt attaches the query entity as destination of every sampled edge
    edge_dst = jnp.concatenate([jnp.full((E // 2,), sub, dtype=edge_src.dtype),
                                jnp.full((E // 2,), obj, dtype=edge_src.dtype)])
    edge_index = jnp.stack([edge_src, edge_dst], axis=0)
    edge_type = jax.random.randint(ks[2], (E,), 0, NUM_REL)
    edge_ts = jax.random.randint(ks[3], (E,), 0, 365)
    # learned parameters (xavier-ish init)
    emb_e = jax.random.normal(ks[4], (NUM_ENT, EMB), dtype=jnp.float32) * 0.02
    emb_r = jax.random.normal(ks[5], (NUM_REL, EMB), dtype=jnp.float32) * 0.02
    W_msg = jax.random.normal(ks[6], (EMB + TD, EMB), dtype=jnp.float32) * (1.0 / np.sqrt(EMB + TD))
    W_self = jax.random.normal(ks[7], (EMB, EMB), dtype=jnp.float32) * (1.0 / np.sqrt(EMB))
    t_freq = jax.random.normal(ks[8], (TD,), dtype=jnp.float32)
    t_phase = jax.random.normal(ks[9], (TD,), dtype=jnp.float32)
    return {"one_pair": one_pair, "edge_index": edge_index, "edge_type": edge_type,
            "edge_ts": edge_ts, "emb_e": emb_e, "emb_r": emb_r, "W_msg": W_msg,
            "W_self": W_self, "t_freq": t_freq, "t_phase": t_phase}


def reference(one_pair, edge_index, edge_type, edge_ts, emb_e, emb_r, W_msg, W_self, t_freq, t_phase):
    sub = one_pair[:, 0]
    obj = one_pair[:, 1]
    # TARGE input: entity and relation embeddings stacked (torch.cat((emb_e, emb_r), dim=0))
    x = jnp.concatenate([emb_e, emb_r], axis=0)  # [NUM_ENT + NUM_REL, EMB]
    src = edge_index[0]
    dst = edge_index[1]
    # functional time encoder on ts-diffs
    t_emb = jnp.cos(edge_ts.astype(jnp.float32)[:, None] * t_freq[None, :] + t_phase[None, :])  # [E, TD]
    # relation-composed messages (CompGCN-style), time-aware
    msg = jnp.take(x, src, axis=0) * jnp.take(emb_r, edge_type, axis=0)  # [E, EMB]
    msg = jnp.concatenate([msg, t_emb], axis=-1) @ W_msg  # [E, EMB]
    n = x.shape[0]
    agg = jnp.zeros((n, EMB), dtype=x.dtype).at[dst].add(msg)
    deg = jnp.zeros((n,), dtype=x.dtype).at[dst].add(1.0)
    agg = agg / jnp.maximum(deg, 1.0)[:, None]
    emb_e_agg = jax.nn.relu(agg + x @ W_self)  # [NUM_ENT + NUM_REL, EMB]
    sub_embedding = jnp.take(emb_e_agg, sub, axis=0)
    obj_embedding = jnp.take(emb_e_agg, obj, axis=0)
    emb = jnp.concatenate([sub_embedding, obj_embedding], axis=-1)  # [1, 2*EMB]
    return emb

if __name__ == "__main__":
    import jax
    _d = setup_inputs()
    print(jax.jit(kernel)(*tuple(_d.values())))

</pallas_src>

<mosaic_0001>
#map = affine_map<(d0, d1) -> (0, 0)>
#map1 = affine_map<(d0, d1) -> (0)>
module attributes {stable_mosaic.version = 14 : i64} {
  func.func @_sc_gather_body(%arg0: i32, %arg1: i32, %arg2: memref<16x8xi32, #tpu.memory_space<hbm>>, %arg3: memref<8xi32, #tpu.memory_space<hbm>>, %arg4: memref<100000x128xf32, #tpu.memory_space<hbm>>, %arg5: memref<128x128xf32, #tpu.memory_space<hbm>>, %arg6: memref<2x128xf32, #tpu.memory_space<hbm>>, %arg7: memref<8xi32, #tpu.memory_space<vmem>>, %arg8: memref<8xi32, #tpu.memory_space<vmem>>, %arg9: memref<8x128xf32, #tpu.memory_space<vmem>>, %arg10: memref<8x128xf32, #tpu.memory_space<vmem>>, %arg11: memref<!tpu.dma_semaphore, #tpu.memory_space<semaphore_mem>>, %arg12: memref<!tpu.dma_semaphore, #tpu.memory_space<semaphore_mem>>) attributes {dimension_semantics = [#tpu.dimension_semantics<core_parallel>, #tpu.dimension_semantics<subcore_parallel>], iteration_bounds = array<i64: 1, 16>, scalar_prefetch = 0 : i64, scratch_operands = 6 : i64, tpu.core_type = #tpu.core_type<sc_vector_subcore>, window_params = [{transform_indices = #map}, {transform_indices = #map1}, {transform_indices = #map}, {transform_indices = #map}, {transform_indices = #map}]} {
    %dma_start3A = arith.constant 0 : i32
    %dma_start3A_0 = tpu.memref_slice %arg2[%arg1, %dma_start3A] : memref<16x8xi32, #tpu.memory_space<hbm>> -> memref<1x8xi32, #tpu.memory_space<hbm>>
    %dma_start3A_1 = tpu.memref_squeeze %dma_start3A_0 : memref<1x8xi32, #tpu.memory_space<hbm>> -> memref<8xi32, #tpu.memory_space<hbm>>
    %dma_start3A_2 = arith.constant 0 : i32
    %dma_start3A_3 = tpu.memref_slice %arg2[%arg1, %dma_start3A_2] : memref<16x8xi32, #tpu.memory_space<hbm>> -> memref<1x8xi32, #tpu.memory_space<hbm>>
    %dma_start3A_4 = tpu.memref_squeeze %dma_start3A_3 : memref<1x8xi32, #tpu.memory_space<hbm>> -> memref<8xi32, #tpu.memory_space<hbm>>
    tpu.enqueue_dma source(%dma_start3A_4 : memref<8xi32, #tpu.memory_space<hbm>>) target(%arg7 : memref<8xi32, #tpu.memory_space<vmem>>) target_semaphore(%arg11 : memref<!tpu.dma_semaphore, #tpu.memory_space<semaphore_mem>>)
    %eq3A = arith.constant 0 : i32
    %eq3A_5 = arith.cmpi eq, %arg1, %eq3A : i32
    %convert_element_type3A = arith.extui %eq3A_5 : i1 to i32
    %cond3A = arith.constant 0 : i32
    %cond3A_6 = arith.cmpi ne, %convert_element_type3A, %cond3A : i32
    scf.if %cond3A_6 {
      tpu.enqueue_dma source(%arg3 : memref<8xi32, #tpu.memory_space<hbm>>) target(%arg8 : memref<8xi32, #tpu.memory_space<vmem>>) target_semaphore(%arg12 : memref<!tpu.dma_semaphore, #tpu.memory_space<semaphore_mem>>)
    } else {
    }
    %dma_wait3A = arith.constant 0 : i32
    %dma_wait3A_7 = tpu.memref_slice %arg2[%arg1, %dma_wait3A] : memref<16x8xi32, #tpu.memory_space<hbm>> -> memref<1x8xi32, #tpu.memory_space<hbm>>
    %dma_wait3A_8 = tpu.memref_squeeze %dma_wait3A_7 : memref<1x8xi32, #tpu.memory_space<hbm>> -> memref<8xi32, #tpu.memory_space<hbm>>
    %dma_wait3A_9 = arith.constant 0 : i32
    %dma_wait3A_10 = tpu.memref_slice %arg2[%arg1, %dma_wait3A_9] : memref<16x8xi32, #tpu.memory_space<hbm>> -> memref<1x8xi32, #tpu.memory_space<hbm>>
    %dma_wait3A_11 = tpu.memref_squeeze %dma_wait3A_10 : memref<1x8xi32, #tpu.memory_space<hbm>> -> memref<8xi32, #tpu.memory_space<hbm>>
    tpu.wait_dma2 semaphore(%arg11 : memref<!tpu.dma_semaphore, #tpu.memory_space<semaphore_mem>>) src(%dma_wait3A_11 : memref<8xi32, #tpu.memory_space<hbm>>) dst(%arg7 : memref<8xi32, #tpu.memory_space<vmem>>)
    %dma_start3A_12 = arith.constant 0 : i32
    %dma_start3A_13 = arith.constant 0 : i32
    %dma_start3A_14 = tpu.memref_slice %arg4[%dma_start3A_12, %dma_start3A_13] : memref<100000x128xf32, #tpu.memory_space<hbm>> -> memref<100000x128xf32, #tpu.memory_space<hbm>>
    tpu.enqueue_indirect_dma source(%dma_start3A_14 : memref<100000x128xf32, #tpu.memory_space<hbm>>) target(%arg9 : memref<8x128xf32, #tpu.memory_space<vmem>>) offsets(%arg7 : memref<8xi32, #tpu.memory_space<vmem>>) semaphore(%arg11 : memref<!tpu.dma_semaphore, #tpu.memory_space<semaphore_mem>>)
    %eq3A_15 = arith.constant 0 : i32
    %eq3A_16 = arith.cmpi eq, %arg1, %eq3A_15 : i32
    %convert_element_type3A_17 = arith.extui %eq3A_16 : i1 to i32
    %cond3A_18 = arith.constant 0 : i32
    %cond3A_19 = arith.cmpi ne, %convert_element_type3A_17, %cond3A_18 : i32
    scf.if %cond3A_19 {
      tpu.wait_dma2 semaphore(%arg12 : memref<!tpu.dma_semaphore, #tpu.memory_space<semaphore_mem>>) src(%arg3 : memref<8xi32, #tpu.memory_space<hbm>>) dst(%arg8 : memref<8xi32, #tpu.memory_space<vmem>>)
      %dma_start3A_37 = arith.constant 0 : i32
      %dma_start3A_38 = arith.constant 0 : i32
      %dma_start3A_39 = tpu.memref_slice %arg4[%dma_start3A_37, %dma_start3A_38] : memref<100000x128xf32, #tpu.memory_space<hbm>> -> memref<100000x128xf32, #tpu.memory_space<hbm>>
      tpu.enqueue_indirect_dma source(%dma_start3A_39 : memref<100000x128xf32, #tpu.memory_space<hbm>>) target(%arg10 : memref<8x128xf32, #tpu.memory_space<vmem>>) offsets(%arg8 : memref<8xi32, #tpu.memory_space<vmem>>) semaphore(%arg12 : memref<!tpu.dma_semaphore, #tpu.memory_space<semaphore_mem>>)
    } else {
    }
    %dma_wait3A_20 = arith.constant 0 : i32
    %dma_wait3A_21 = arith.constant 0 : i32
    %dma_wait3A_22 = tpu.memref_slice %arg4[%dma_wait3A_20, %dma_wait3A_21] : memref<100000x128xf32, #tpu.memory_space<hbm>> -> memref<100000x128xf32, #tpu.memory_space<hbm>>
    tpu.wait_indirect_dma semaphore(%arg11 : memref<!tpu.dma_semaphore, #tpu.memory_space<semaphore_mem>>) src(%dma_wait3A_22 : memref<100000x128xf32, #tpu.memory_space<hbm>>) dst(%arg9 : memref<8x128xf32, #tpu.memory_space<vmem>>)
    %mul3A = arith.constant 8 : i32
    %mul3A_23 = arith.muli %arg1, %mul3A : i32
    %dma_start3A_24 = arith.constant 0 : i32
    %dma_start3A_25 = tpu.memref_slice %arg5[%mul3A_23, %dma_start3A_24] : memref<128x128xf32, #tpu.memory_space<hbm>> -> memref<8x128xf32, #tpu.memory_space<hbm>>
    %dma_start3A_26 = arith.constant 0 : i32
    %dma_start3A_27 = tpu.memref_slice %arg5[%mul3A_23, %dma_start3A_26] : memref<128x128xf32, #tpu.memory_space<hbm>> -> memref<8x128xf32, #tpu.memory_space<hbm>>
    tpu.enqueue_dma source(%arg9 : memref<8x128xf32, #tpu.memory_space<vmem>>) target(%dma_start3A_27 : memref<8x128xf32, #tpu.memory_space<hbm>>) target_semaphore(%arg11 : memref<!tpu.dma_semaphore, #tpu.memory_space<semaphore_mem>>)
    %eq3A_28 = arith.constant 0 : i32
    %eq3A_29 = arith.cmpi eq, %arg1, %eq3A_28 : i32
    %convert_element_type3A_30 = arith.extui %eq3A_29 : i1 to i32
    %cond3A_31 = arith.constant 0 : i32
    %cond3A_32 = arith.cmpi ne, %convert_element_type3A_30, %cond3A_31 : i32
    scf.if %cond3A_32 {
      %dma_wait3A_37 = arith.constant 0 : i32
      %dma_wait3A_38 = arith.constant 0 : i32
      %dma_wait3A_39 = tpu.memref_slice %arg4[%dma_wait3A_37, %dma_wait3A_38] : memref<100000x128xf32, #tpu.memory_space<hbm>> -> memref<100000x128xf32, #tpu.memory_space<hbm>>
      tpu.wait_indirect_dma semaphore(%arg12 : memref<!tpu.dma_semaphore, #tpu.memory_space<semaphore_mem>>) src(%dma_wait3A_39 : memref<100000x128xf32, #tpu.memory_space<hbm>>) dst(%arg10 : memref<8x128xf32, #tpu.memory_space<vmem>>)
      "tpu.region"() ({
        %run_scoped3A = tpu.sem_alloc : memref<!tpu.dma_semaphore, #tpu.memory_space<semaphore_mem>>
        %dma_start3A_40 = arith.constant 0 : i32
        %dma_start3A_41 = arith.constant 0 : i32
        %dma_start3A_42 = tpu.memref_slice %arg10[%dma_start3A_40, %dma_start3A_41] : memref<8x128xf32, #tpu.memory_space<vmem>> -> memref<2x128xf32, #tpu.memory_space<vmem>>
        %dma_start3A_43 = arith.constant 0 : i32
        %dma_start3A_44 = arith.constant 0 : i32
        %dma_start3A_45 = tpu.memref_slice %arg10[%dma_start3A_43, %dma_start3A_44] : memref<8x128xf32, #tpu.memory_space<vmem>> -> memref<2x128xf32, #tpu.memory_space<vmem>>
        tpu.enqueue_dma source(%dma_start3A_45 : memref<2x128xf32, #tpu.memory_space<vmem>>) target(%arg6 : memref<2x128xf32, #tpu.memory_space<hbm>>) target_semaphore(%run_scoped3A : memref<!tpu.dma_semaphore, #tpu.memory_space<semaphore_mem>>)
        %dma_wait3A_46 = arith.constant 0 : i32
        %dma_wait3A_47 = arith.constant 0 : i32
        %dma_wait3A_48 = tpu.memref_slice %arg10[%dma_wait3A_46, %dma_wait3A_47] : memref<8x128xf32, #tpu.memory_space<vmem>> -> memref<2x128xf32, #tpu.memory_space<vmem>>
        %dma_wait3A_49 = arith.constant 0 : i32
        %dma_wait3A_50 = arith.constant 0 : i32
        %dma_wait3A_51 = tpu.memref_slice %arg10[%dma_wait3A_49, %dma_wait3A_50] : memref<8x128xf32, #tpu.memory_space<vmem>> -> memref<2x128xf32, #tpu.memory_space<vmem>>
        tpu.wait_dma2 semaphore(%run_scoped3A : memref<!tpu.dma_semaphore, #tpu.memory_space<semaphore_mem>>) src(%dma_wait3A_51 : memref<2x128xf32, #tpu.memory_space<vmem>>) dst(%arg6 : memref<2x128xf32, #tpu.memory_space<hbm>>)
        tpu.yield
      }) : () -> ()
    } else {
    }
    %dma_wait3A_33 = arith.constant 0 : i32
    %dma_wait3A_34 = tpu.memref_slice %arg5[%mul3A_23, %dma_wait3A_33] : memref<128x128xf32, #tpu.memory_space<hbm>> -> memref<8x128xf32, #tpu.memory_space<hbm>>
    %dma_wait3A_35 = arith.constant 0 : i32
    %dma_wait3A_36 = tpu.memref_slice %arg5[%mul3A_23, %dma_wait3A_35] : memref<128x128xf32, #tpu.memory_space<hbm>> -> memref<8x128xf32, #tpu.memory_space<hbm>>
    tpu.wait_dma2 semaphore(%arg11 : memref<!tpu.dma_semaphore, #tpu.memory_space<semaphore_mem>>) src(%arg9 : memref<8x128xf32, #tpu.memory_space<vmem>>) dst(%dma_wait3A_36 : memref<8x128xf32, #tpu.memory_space<hbm>>)
    return
  }
}

module attributes {stable_mosaic.version = 14 : i64} {
  func.func @_tc_body(%arg0: memref<1x3xi32, #tpu.memory_space<vmem>>, %arg1: memref<2x128xi32, #tpu.memory_space<vmem>>, %arg2: memref<128x1xi32, #tpu.memory_space<vmem>>, %arg3: memref<128x128xf32, #tpu.memory_space<vmem>>, %arg4: memref<2x128xf32, #tpu.memory_space<vmem>>, %arg5: memref<500x128xf32, #tpu.memory_space<vmem>>, %arg6: memref<128x1xf32, #tpu.memory_space<vmem>>, %arg7: memref<1x32xf32, #tpu.memory_space<vmem>>, %arg8: memref<1x32xf32, #tpu.memory_space<vmem>>, %arg9: memref<160x128xf32, #tpu.memory_space<vmem>>, %arg10: memref<128x128xf32, #tpu.memory_space<vmem>>, %arg11: memref<1x256xf32, #tpu.memory_space<vmem>>) attributes {dimension_semantics = [], scalar_prefetch = 0 : i64, scratch_operands = 0 : i64, tpu.core_type = #tpu.core_type<tc>} {
    %get3A = arith.constant 0 : index
    %get3A_0 = arith.constant 0 : index
    %get3A_1 = vector.load %arg0[%get3A, %get3A_0] : memref<1x3xi32, #tpu.memory_space<vmem>>, vector<1x3xi32>
    %get3A_2 = arith.constant 1 : index
    %get3A_3 = arith.constant 0 : index
    %get3A_4 = vector.load %arg1[%get3A_2, %get3A_3] : memref<2x128xi32, #tpu.memory_space<vmem>>, vector<1x128xi32>
    %get3A_5 = arith.constant 0 : index
    %get3A_6 = arith.constant 0 : index
    %get3A_7 = vector.load %arg6[%get3A_5, %get3A_6] : memref<128x1xf32, #tpu.memory_space<vmem>>, vector<128x1xf32>
    %get3A_8 = arith.constant 0 : index
    %get3A_9 = arith.constant 0 : index
    %get3A_10 = vector.load %arg7[%get3A_8, %get3A_9] : memref<1x32xf32, #tpu.memory_space<vmem>>, vector<1x32xf32>
    %mul3A = vector.broadcast %get3A_7 : vector<128x1xf32> to vector<128x32xf32>
    %mul3A_11 = vector.broadcast %get3A_10 : vector<1x32xf32> to vector<128x32xf32>
    %mul3A_12 = arith.mulf %mul3A, %mul3A_11 : vector<128x32xf32>
    %get3A_13 = arith.constant 0 : index
    %get3A_14 = arith.constant 0 : index
    %get3A_15 = vector.load %arg8[%get3A_13, %get3A_14] : memref<1x32xf32, #tpu.memory_space<vmem>>, vector<1x32xf32>
    %add3A = vector.broadcast %get3A_15 : vector<1x32xf32> to vector<128x32xf32>
    %add3A_16 = arith.addf %mul3A_12, %add3A : vector<128x32xf32>
    %cos3A = math.cos %add3A_16 : vector<128x32xf32>
    %get3A_17 = arith.constant 0 : index
    %get3A_18 = arith.constant 0 : index
    %get3A_19 = vector.load %arg2[%get3A_17, %get3A_18] : memref<128x1xi32, #tpu.memory_space<vmem>>, vector<128x1xi32>
    %iota3A = tpu.iota {dimensions = array<i32: 1>} : vector<128x500xi32>
    %eq3A = vector.broadcast %get3A_19 : vector<128x1xi32> to vector<128x500xi32>
    %eq3A_20 = arith.cmpi eq, %eq3A, %iota3A : vector<128x500xi32>
    %convert_element_type3A = arith.extui %eq3A_20 : vector<128x500xi1> to vector<128x500xi32>
    %convert_element_type3A_21 = arith.sitofp %convert_element_type3A : vector<128x500xi32> to vector<128x500xf32>
    %get3A_22 = arith.constant 0 : index
    %get3A_23 = arith.constant 0 : index
    %get3A_24 = vector.load %arg5[%get3A_22, %get3A_23] : memref<500x128xf32, #tpu.memory_space<vmem>>, vector<500x128xf32>
    %dot_general3A = arith.constant dense<0.000000e+00> : vector<128x128xf32>
    %dot_general3A_25 = tpu.matmul %convert_element_type3A_21, %get3A_24, %dot_general3A {dimension_numbers = #tpu.dot_dimension_numbers<[1], [0], [0], [1], [0, 0, 1, 1], [], []>, transpose_lhs_hint = false} : vector<128x500xf32>, vector<500x128xf32>, vector<128x128xf32> -> vector<128x128xf32>
    %get3A_26 = arith.constant 0 : index
    %get3A_27 = arith.constant 0 : index
    %get3A_28 = vector.load %arg3[%get3A_26, %get3A_27] : memref<128x128xf32, #tpu.memory_space<vmem>>, vector<128x128xf32>
    %mul3A_29 = arith.mulf %get3A_28, %dot_general3A_25 : vector<128x128xf32>
    %get3A_30 = arith.constant 0 : index
    %get3A_31 = arith.constant 0 : index
    %get3A_32 = vector.load %arg9[%get3A_30, %get3A_31] : memref<160x128xf32, #tpu.memory_space<vmem>>, vector<128x128xf32>
    %get3A_33 = arith.constant 128 : index
    %get3A_34 = arith.constant 0 : index
    %get3A_35 = vector.load %arg9[%get3A_33, %get3A_34] : memref<160x128xf32, #tpu.memory_space<vmem>>, vector<32x128xf32>
    %slice3A = vector.extract_strided_slice %get3A_1 {offsets = [0, 0], sizes = [1, 1], strides = [1, 1]} : vector<1x3xi32> to vector<1x1xi32>
    %eq3A_36 = vector.broadcast %slice3A : vector<1x1xi32> to vector<1x128xi32>
    %eq3A_37 = arith.cmpi eq, %get3A_4, %eq3A_36 : vector<1x128xi32>
    %convert_element_type3A_38 = arith.extui %eq3A_37 : vector<1x128xi1> to vector<1x128xi32>
    %convert_element_type3A_39 = arith.sitofp %convert_element_type3A_38 : vector<1x128xi32> to vector<1x128xf32>
    %dot_general3A_40 = arith.constant dense<0.000000e+00> : vector<1x128xf32>
    %dot_general3A_41 = tpu.matmul %convert_element_type3A_39, %mul3A_29, %dot_general3A_40 {dimension_numbers = #tpu.dot_dimension_numbers<[1], [0], [0], [1], [0, 0, 1, 1], [], []>, transpose_lhs_hint = false} : vector<1x128xf32>, vector<128x128xf32>, vector<1x128xf32> -> vector<1x128xf32>
    %dot_general3A_42 = arith.constant dense<0.000000e+00> : vector<1x32xf32>
    %dot_general3A_43 = tpu.matmul %convert_element_type3A_39, %cos3A, %dot_general3A_42 {dimension_numbers = #tpu.dot_dimension_numbers<[1], [0], [0], [1], [0, 0, 1, 1], [], []>, transpose_lhs_hint = false} : vector<1x128xf32>, vector<128x32xf32>, vector<1x32xf32> -> vector<1x32xf32>
    %reduce_sum3A = vector.shape_cast %convert_element_type3A_39 : vector<1x128xf32> to vector<1x1x128xf32>
    %reduce_sum3A_44 = arith.constant dense<0.000000e+00> : vector<1xf32>
    %reduce_sum3A_45 = vector.multi_reduction <add>, %reduce_sum3A, %reduce_sum3A_44 [1, 2] : vector<1x1x128xf32> to vector<1xf32>
    %reduce_sum3A_46 = vector.shape_cast %reduce_sum3A_45 : vector<1xf32> to vector<1x1x1xf32>
    %reduce_sum3A_47 = vector.extract %reduce_sum3A_46[0, 0, 0] : f32 from vector<1x1x1xf32>
    %max3A = arith.constant 1.000000e+00 : f32
    %max3A_48 = arith.maximumf %reduce_sum3A_47, %max3A : f32
    %div3A = arith.constant 1.000000e+00 : f32
    %div3A_49 = arith.divf %div3A, %max3A_48 : f32
    %dot_general3A_50 = arith.constant dense<0.000000e+00> : vector<1x128xf32>
    %dot_general3A_51 = tpu.matmul %dot_general3A_41, %get3A_32, %dot_general3A_50 {dimension_numbers = #tpu.dot_dimension_numbers<[1], [0], [0], [1], [0, 0, 1, 1], [], []>, transpose_lhs_hint = false} : vector<1x128xf32>, vector<128x128xf32>, vector<1x128xf32> -> vector<1x128xf32>
    %dot_general3A_52 = arith.constant dense<0.000000e+00> : vector<1x128xf32>
    %dot_general3A_53 = tpu.matmul %dot_general3A_43, %get3A_35, %dot_general3A_52 {dimension_numbers = #tpu.dot_dimension_numbers<[1], [0], [0], [1], [0, 0, 1, 1], [], []>, transpose_lhs_hint = false} : vector<1x32xf32>, vector<32x128xf32>, vector<1x128xf32> -> vector<1x128xf32>
    %add3A_54 = arith.addf %dot_general3A_51, %dot_general3A_53 : vector<1x128xf32>
    %mul3A_55 = vector.broadcast %div3A_49 : f32 to vector<1x128xf32>
    %mul3A_56 = arith.mulf %add3A_54, %mul3A_55 : vector<1x128xf32>
    %get3A_57 = arith.constant 0 : index
    %get3A_58 = arith.constant 0 : index
    %get3A_59 = vector.load %arg4[%get3A_57, %get3A_58] : memref<2x128xf32, #tpu.memory_space<vmem>>, vector<1x128xf32>
    %get3A_60 = arith.constant 0 : index
    %get3A_61 = arith.constant 0 : index
    %get3A_62 = vector.load %arg10[%get3A_60, %get3A_61] : memref<128x128xf32, #tpu.memory_space<vmem>>, vector<128x128xf32>
    %dot_general3A_63 = arith.constant dense<0.000000e+00> : vector<1x128xf32>
    %dot_general3A_64 = tpu.matmul %get3A_59, %get3A_62, %dot_general3A_63 {dimension_numbers = #tpu.dot_dimension_numbers<[1], [0], [0], [1], [0, 0, 1, 1], [], []>, transpose_lhs_hint = false} : vector<1x128xf32>, vector<128x128xf32>, vector<1x128xf32> -> vector<1x128xf32>
    %add3A_65 = arith.addf %mul3A_56, %dot_general3A_64 : vector<1x128xf32>
    %max3A_66 = arith.constant 0.000000e+00 : f32
    %max3A_67 = vector.broadcast %max3A_66 : f32 to vector<1x128xf32>
    %max3A_68 = arith.maximumf %add3A_65, %max3A_67 : vector<1x128xf32>
    %swap3A = arith.constant 0 : index
    %swap3A_69 = arith.constant 0 : index
    %swap3A_70 = vector.load %arg11[%swap3A, %swap3A_69] : memref<1x256xf32, #tpu.memory_space<vmem>>, vector<1x128xf32>
    tpu.vector_store %arg11[%swap3A, %swap3A_69], %max3A_68 {strides = array<i32>} : memref<1x256xf32, #tpu.memory_space<vmem>>, vector<1x128xf32>,
    %slice3A_71 = vector.extract_strided_slice %get3A_1 {offsets = [0, 1], sizes = [1, 1], strides = [1, 1]} : vector<1x3xi32> to vector<1x1xi32>
    %eq3A_72 = vector.broadcast %slice3A_71 : vector<1x1xi32> to vector<1x128xi32>
    %eq3A_73 = arith.cmpi eq, %get3A_4, %eq3A_72 : vector<1x128xi32>
    %convert_element_type3A_74 = arith.extui %eq3A_73 : vector<1x128xi1> to vector<1x128xi32>
    %convert_element_type3A_75 = arith.sitofp %convert_element_type3A_74 : vector<1x128xi32> to vector<1x128xf32>
    %dot_general3A_76 = arith.constant dense<0.000000e+00> : vector<1x128xf32>
    %dot_general3A_77 = tpu.matmul %convert_element_type3A_75, %mul3A_29, %dot_general3A_76 {dimension_numbers = #tpu.dot_dimension_numbers<[1], [0], [0], [1], [0, 0, 1, 1], [], []>, transpose_lhs_hint = false} : vector<1x128xf32>, vector<128x128xf32>, vector<1x128xf32> -> vector<1x128xf32>
    %dot_general3A_78 = arith.constant dense<0.000000e+00> : vector<1x32xf32>
    %dot_general3A_79 = tpu.matmul %convert_element_type3A_75, %cos3A, %dot_general3A_78 {dimension_numbers = #tpu.dot_dimension_numbers<[1], [0], [0], [1], [0, 0, 1, 1], [], []>, transpose_lhs_hint = false} : vector<1x128xf32>, vector<128x32xf32>, vector<1x32xf32> -> vector<1x32xf32>
    %reduce_sum3A_80 = vector.shape_cast %convert_element_type3A_75 : vector<1x128xf32> to vector<1x1x128xf32>
    %reduce_sum3A_81 = arith.constant dense<0.000000e+00> : vector<1xf32>
    %reduce_sum3A_82 = vector.multi_reduction <add>, %reduce_sum3A_80, %reduce_sum3A_81 [1, 2] : vector<1x1x128xf32> to vector<1xf32>
    %reduce_sum3A_83 = vector.shape_cast %reduce_sum3A_82 : vector<1xf32> to vector<1x1x1xf32>
    %reduce_sum3A_84 = vector.extract %reduce_sum3A_83[0, 0, 0] : f32 from vector<1x1x1xf32>
    %max3A_85 = arith.constant 1.000000e+00 : f32
    %max3A_86 = arith.maximumf %reduce_sum3A_84, %max3A_85 : f32
    %div3A_87 = arith.constant 1.000000e+00 : f32
    %div3A_88 = arith.divf %div3A_87, %max3A_86 : f32
    %dot_general3A_89 = arith.constant dense<0.000000e+00> : vector<1x128xf32>
    %dot_general3A_90 = tpu.matmul %dot_general3A_77, %get3A_32, %dot_general3A_89 {dimension_numbers = #tpu.dot_dimension_numbers<[1], [0], [0], [1], [0, 0, 1, 1], [], []>, transpose_lhs_hint = false} : vector<1x128xf32>, vector<128x128xf32>, vector<1x128xf32> -> vector<1x128xf32>
    %dot_general3A_91 = arith.constant dense<0.000000e+00> : vector<1x128xf32>
    %dot_general3A_92 = tpu.matmul %dot_general3A_79, %get3A_35, %dot_general3A_91 {dimension_numbers = #tpu.dot_dimension_numbers<[1], [0], [0], [1], [0, 0, 1, 1], [], []>, transpose_lhs_hint = false} : vector<1x32xf32>, vector<32x128xf32>, vector<1x128xf32> -> vector<1x128xf32>
    %add3A_93 = arith.addf %dot_general3A_90, %dot_general3A_92 : vector<1x128xf32>
    %mul3A_94 = vector.broadcast %div3A_88 : f32 to vector<1x128xf32>
    %mul3A_95 = arith.mulf %add3A_93, %mul3A_94 : vector<1x128xf32>
    %get3A_96 = arith.constant 1 : index
    %get3A_97 = arith.constant 0 : index
    %get3A_98 = vector.load %arg4[%get3A_96, %get3A_97] : memref<2x128xf32, #tpu.memory_space<vmem>>, vector<1x128xf32>
    %get3A_99 = arith.constant 0 : index
    %get3A_100 = arith.constant 0 : index
    %get3A_101 = vector.load %arg10[%get3A_99, %get3A_100] : memref<128x128xf32, #tpu.memory_space<vmem>>, vector<128x128xf32>
    %dot_general3A_102 = arith.constant dense<0.000000e+00> : vector<1x128xf32>
    %dot_general3A_103 = tpu.matmul %get3A_98, %get3A_101, %dot_general3A_102 {dimension_numbers = #tpu.dot_dimension_numbers<[1], [0], [0], [1], [0, 0, 1, 1], [], []>, transpose_lhs_hint = false} : vector<1x128xf32>, vector<128x128xf32>, vector<1x128xf32> -> vector<1x128xf32>
    %add3A_104 = arith.addf %mul3A_95, %dot_general3A_103 : vector<1x128xf32>
    %max3A_105 = arith.constant 0.000000e+00 : f32
    %max3A_106 = vector.broadcast %max3A_105 : f32 to vector<1x128xf32>
    %max3A_107 = arith.maximumf %add3A_104, %max3A_106 : vector<1x128xf32>
    %swap3A_108 = arith.constant 0 : index
    %swap3A_109 = arith.constant 128 : index
    %swap3A_110 = vector.load %arg11[%swap3A_108, %swap3A_109] : memref<1x256xf32, #tpu.memory_space<vmem>>, vector<1x128xf32>
    tpu.vector_store %arg11[%swap3A_108, %swap3A_109], %max3A_107 {strides = array<i32>} : memref<1x256xf32, #tpu.memory_space<vmem>>, vector<1x128xf32>,
    return
  }
}

</mosaic_0001>

<sc_bundles>
// kernel: kernel.4.cloned.1.call-start
scs
__scs_entry_jumppad:
0x0: {  	(pc) =	sbr.rel $0x88, $3  }
0x1: {  	(tag) =	ssettag $0x0;
	lr =	simm.s32 $0x1  }
0x2: {  	[smem:$0x3F97] =	sst lr;
	_ =	strace $0xD0000000  }
0x3: {  	_ = 	snop  }
0x4: {  	_ = 	snop  }
0x5: {  	_ = 	snop  }
0x6: {  	_ = 	snop  }
0x7: {  	_ = 	snop  }
__scs_overlays_trampoline_lowered:
0x8: {  	[smem:$0x3FA6] =	sst s0  }
0x9: {  	[smem:$0x3FA7] =	sst s1  }
0xa: {  	[smem:$0x3FA8] =	sst s2  }
0xb: {  	[smem:$0x3FA9] =	sst s3  }
0xc: {  	[smem:$0x3FAA] =	sst s4  }
0xd: {  	[smem:$0x3FAB] =	sst s5  }
0xe: {  	[smem:$0x3FAC] =	sst s6  }
0xf: {  	[smem:$0x3FAD] =	sst s7  }
0x10: {  	[smem:$0x3FAE] =	sst s8  }
0x11: {  	[smem:$0x3FAF] =	sst s9;
	s0 =	simm.s32 @!p0 $0x0  }
0x12: {  	s1 =	sld [smem:$0x3F95];
	s0 =	simm.s32 @p0 $0x1  }
0x13: {  	[smem:$0x3FB0] =	sst s0;
	s0 =	simm.s32 @!p1 $0x0  }
0x14: {  	s2 =	sld [smem:$0x3F94];
	s0 =	simm.s32 @p1 $0x1  }
0x15: {  	[smem:$0x3FB1] =	sst s0;
	s0 =	simm.s32 @!p2 $0x0  }
0x16: {  	s3 =	sld [smem:$0x3FDB];
	s0 =	simm.s32 @p2 $0x1  }
0x17: {  	s4 =	simm.s32 $0x1BF5;
	[smem:$0x3FB3] =	sst s0  }
0x18: {  	s0 =	sld [smem:$0x3F96];
	_ =	swait.ge [sflag:s4], $0x0  }
0x19: {  	s7 =	sld [smem:$0x3F97]  }
0x1a: {  	s8 =	sadd.s32 $0xFFFFE003, lr  }
0x1b: {  	s9 =	sadd.s32 $0xFFFFFEF7, lr;
	s5 =	simm.s32 $0xFFFFFFFF;
	p2 =	slt.u32 s8, $0xFFFFF086  }
0x1c: {  	p1 =	slt.u32 s9, $0xF7A;
	s5 =	simm.s32 @!p2 $0x0  }
0x1d: {  	s5 =	simm.s32 @p1 $0x1;
	p0 =	seq.s32 s7, s2  }
0x1e: {  	s7 =	smul.u32 @!p0 $0xF7A, s2;
	p2 =	seq.s32 @!p0 s5, $0x0  }
0x1f: {  	s9 =	smul.u32 $0xF7A, s1;
	s8 =	simm.s32 @!p0 $0x1BF5;
	p2 =	por !p2, p0  }
0x20: {  	[sflag:s8] =	ssyncset.s32 @!p0 $0xFFFFF086;
	s6 =	sadd.s32 @!p0 s3, s7;
	s7 =	simm.s32 @!p0 $0x108  }
0x21: {  	s3 =	sadd.s32 s3, s9;
	s6 =	sadd.s32 @!p0 $0x88, s6;
	s7 =	simm.s32 @p2 $0x1082  }
0x22: {  	[simem:s7], [sflag:s8] =	dma.local @!p0 [hbm:s6], $0xF7A  }
0x23: {  	s9 =	sor.u32 $0xD0000000, s2;
	s6 =	simm.s32 $0x108;
	_ =	swait.ge @!p0 [sflag:s8], $0x0  }
0x24: {  	s3 =	sadd.s32 $0x88, s3;
	s6 =	simm.s32 @!p1 $0x1082;
	[sflag:s4] =	ssyncset.s32 $0xFFFFF086  }
0x25: {  	[simem:s6], [sflag:s4] =	dma.local [hbm:s3], $0xF7A  }
0x26: {  	[smem:$0x3F97] =	sst s1;
	(tag) =	ssettag s2;
	_ =	strace s9  }
0x27: {  	s1 =	sld [smem:$0x3FA7]  }
0x28: {  	s2 =	sld [smem:$0x3FA8]  }
0x29: {  	s4 =	sld [smem:$0x3FAA]  }
0x2a: {  	p0 =	seq.s32 s5, $0x0;
	s5 =	sld [smem:$0x3FAB]  }
0x2b: {  	s6 =	sld [smem:$0x3FAC]  }
0x2c: {  	s7 =	sld [smem:$0x3FAD]  }
0x2d: {  	s3 =	simm.s32 $0x108;
	s8 =	sld [smem:$0x3FAE]  }
0x2e: {  	s3 =	simm.s32 @!p0 $0x1082;
	s9 =	sld [smem:$0x3FAF]  }
0x2f: {  	lr =	sadd.s32 s0, s3;
	s0 =	sld [smem:$0x3FA6]  }
0x30: {  	s3 =	sld [smem:$0x3FA9]  }
0x31: {  	[smem:$0x3FB2] =	sst s10  }
0x32: {  	s10 =	sld [smem:$0x3FB0];
	_ =	sdelay $0x3  }
0x33: {  	p0 =	seq.s32 s10, $0x1;
	s10 =	sld [smem:$0x3FB2];
	_ =	sdelay $0x3  }
0x34: {  	[smem:$0x3FB2] =	sst s10  }
0x35: {  	s10 =	sld [smem:$0x3FB1];
	_ =	sdelay $0x3  }
0x36: {  	p1 =	seq.s32 s10, $0x1;
	s10 =	sld [smem:$0x3FB2];
	_ =	sdelay $0x3  }
0x37: {  	[smem:$0x3FB2] =	sst s10  }
0x38: {  	s10 =	sld [smem:$0x3FB3]  }
0x39: {  	_ = 	snop;
	(pc) =	sbr.ind lr, $3  }
0x3a: {  	_ = 	snop  }
0x3b: {  	_ = 	snop  }
0x3c: {  	p2 =	seq.s32 s10, $0x1;
	s10 =	sld [smem:$0x3FB2]  }
0x3d: {  	_ =	shalt  }
0x3e: {  	_ =	shalt  }
0x3f: {  	_ =	shalt  }
0x40: {  	_ =	shalt  }
0x41: {  	_ =	shalt  }
0x42: {  	_ =	shalt  }
0x43: {  	_ =	shalt  }
0x44: {  	_ =	shalt  }
0x45: {  	_ =	shalt  }
0x46: {  	_ =	shalt  }
0x47: {  	_ =	shalt  }
0x48: {  	_ =	shalt  }
0x49: {  	_ =	shalt  }
0x4a: {  	_ =	shalt  }
0x4b: {  	_ =	shalt  }
0x4c: {  	_ =	shalt  }
0x4d: {  	_ =	shalt  }
0x4e: {  	_ =	shalt  }
0x4f: {  	_ =	shalt  }
0x50: {  	_ =	shalt  }
0x51: {  	_ =	shalt  }
0x52: {  	_ =	shalt  }
0x53: {  	_ =	shalt  }
0x54: {  	_ =	shalt  }
0x55: {  	_ =	shalt  }
0x56: {  	_ =	shalt  }
0x57: {  	_ =	shalt  }
0x58: {  	_ =	shalt  }
0x59: {  	_ =	shalt  }
0x5a: {  	_ =	shalt  }
0x5b: {  	_ =	shalt  }
0x5c: {  	_ =	shalt  }
0x5d: {  	_ =	shalt  }
0x5e: {  	_ =	shalt  }
0x5f: {  	_ =	shalt  }
0x60: {  	_ =	shalt  }
0x61: {  	_ =	shalt  }
0x62: {  	_ =	shalt  }
0x63: {  	_ =	shalt  }
0x64: {  	_ =	shalt  }
0x65: {  	_ =	shalt  }
0x66: {  	_ =	shalt  }
0x67: {  	_ =	shalt  }
0x68: {  	_ =	shalt  }
0x69: {  	_ =	shalt  }
0x6a: {  	_ =	shalt  }
0x6b: {  	_ =	shalt  }
0x6c: {  	_ =	shalt  }
0x6d: {  	_ =	shalt  }
0x6e: {  	_ =	shalt  }
0x6f: {  	_ =	shalt  }
0x70: {  	_ =	shalt  }
0x71: {  	_ =	shalt  }
0x72: {  	_ =	shalt  }
0x73: {  	_ =	shalt  }
0x74: {  	_ =	shalt  }
0x75: {  	_ =	shalt  }
0x76: {  	_ =	shalt  }
0x77: {  	_ =	shalt  }
0x78: {  	_ =	shalt  }
0x79: {  	_ =	shalt  }
0x7a: {  	_ =	shalt  }
0x7b: {  	_ =	shalt  }
0x7c: {  	_ =	shalt  }
0x7d: {  	_ =	shalt  }
0x7e: {  	_ =	shalt  }
0x7f: {  	_ =	shalt  }
0x80: {  	_ =	shalt  }
0x81: {  	_ =	shalt  }
0x82: {  	_ =	shalt  }
0x83: {  	_ =	shalt  }
0x84: {  	_ =	shalt  }
0x85: {  	_ =	shalt  }
0x86: {  	_ =	shalt  }
0x87: {  	_ =	shalt  }
.Lfunc_end0:
.L_simem_size_0:
called_computation_lowered:
.L_overlay_start_0:
0x88: {  	s0 =	sld [smem:$0x3FD9]  }
0x89: {  	s1 =	sld [smem:$0x3FFE];
	_ =	sdelay $0x3  }
0x8a: {  	s0 =	sadd.s32 s1, s0  }
0x8b: {  	[smem:$0x3FBE] =	sst s0  }
0x8c: {  	_ = 	snop  }
0x8d: {  	s0 =	sld [smem:$0x3FC5]  }
0x8e: {  	s16 =	sld [smem:$0x3FD0];
	(tm) =	ssettm $0x1  }
0x8f: {  	s2 =	sld [smem:$0x3FFB];
	_ =	sdelay $0x3  }
0x90: {  	_ =	strace s2  }
0x91: {  	s2 =	sld [smem:$0x3FFC];
	_ =	sdelay $0x3  }
0x92: {  	_ =	strace s2  }
0x93: {  	s2 =	sld [smem:$0x3FFD];
	_ =	sdelay $0x3  }
0x94: {  	_ =	strace s2  }
0x95: {  	_ =	strace $0x8FFFFFFF  }
0x96: {  	s17 =	sld [smem:$0x3FDB];
	_ =	sdelay $0x1  }
0x97: {  	s3 =	simm.s32 $_scs_section_size  }
0x98: {  	s4 =	simm.s32 $_size__tile_overlayer_lowered;
	s5 =	simm.s32 $_tile_overlayer_lowered  }
0x99: {  	s20 =	simm.s32 $0x1BFF;
	s19 =	sshll.u32 s5, $0x1;
	s2 =	sadd.s32 s3, s17  }
0x9a: {  	s6 =	simm.s32 $0x0;
	s18 =	sshll.u32 s4, $0x1;
	s4 =	sadd.s32 s19, s2  }
0x9b: {  	[timem:s6], [sflag:s20] =	dma.local [hbm:s4], s18  }
0x9c: {  	_ =	swait.ge [sflag:s20], s18  }
0x9d: {  	s3 =	ssub.s32 $0x0, s18;
	[sflag:s20] =	ssyncset.done $0x0  }
0x9e: {  	[sflag:s20] =	ssyncadd.s32 s3;
	_ =	sdelay $0x1  }
0x9f: {  	s21 =	simm.s32 $0x1B8B  }
0xa0: {  	_ =	swait.ge [sflag:s21], $0x1  }
0xa1: {  	[sflag:s21] =	ssyncset.done $0x0  }
0xa2: {  	s23 =	simm.s32 $0x1B8E;
	s22 =	sld [smem:$0x3FFE];
	[sflag:s21] =	ssyncadd.s32 $0xFFFFFFFF  }
0xa3: {  	s24 =	simm.s32 $execute0_lowered;
	[smem:$0x3FD2] =	sst s23  }
0xa4: {  	s4 =	sshll.u32 s24, $0x1;
	_ =	strace $0x80000046;
	[dreg:$0x1] =	wrdreg $0xFFFFFFFF  }
0xa5: {  	s25 =	simm.s32 $_size_execute0_lowered;
	s2 =	sadd.s32 s2, s4;
	[dreg:$0x0] =	wrdreg $0x0  }
0xa6: {  	s4 =	sshll.u32 s25, $0x1;
	[dreg:$0x2] =	wrdreg s2  }
0xa7: {  	[dreg:$0x3] =	wrdreg s4  }
0xa8: {  	[dreg:$0x4] =	wrdreg $0xC0  }
0xa9: {  	_ =	task [dreg:s6], $0x5FFFF  }
0xaa: {  	[dreg:$0x1] =	wrdreg $0xFFFFFFFF  }
0xab: {  	[dreg:$0x0] =	wrdreg $0x60  }
0xac: {  	[dreg:$0x2] =	wrdreg s22  }
0xad: {  	[dreg:$0x3] =	wrdreg s0  }
0xae: {  	[dreg:$0x4] =	wrdreg s16  }
0xaf: {  	[dreg:$0x5] =	wrdreg $0x9  }
0xb0: {  	_ =	task.clear_ibuf [dreg:s6], $0x6FFFF;
	_ =	strace $0x90000046  }
0xb1: {  	s26 =	simm.s32 $0x9;
	_ =	strace $0x80000048  }
0xb2: {  	_ =	swait.ge [sflag:s26], $0x1  }
0xb3: {  	[sflag:s26] =	ssyncadd.s32 $0xFFFFFFFF  }
0xb4: {  	_ =	strace $0x90000048  }
0xb5: {  	_ =	sfence  }
0xb6: {  	s28 =	sld [smem:$0x0];
	_ =	sdelay $0x1  }
0xb7: {  	s29 =	srdreg.scid  }
0xb8: {  	s30 =	sshll.u32 s29, $0xD;
	s31 =	sshrl.u32 s29, $0x2  }
0xb9: {  	s1 =	sand.u32 $0x1, s29;
	s2 =	sand.u32 $0x4000, s30;
	s0 =	sadd.s32 s31, s28  }
0xba: {  	s1 =	sor.u32 s2, s1;
	s0 =	sshll.u32 s0, $0x11  }
0xbb: {  	s0 =	sor.u32 s0, s1  }
0xbc: {  	s0 =	sadd.s32 $0x8F2B, s0  }
0xbd: {  	[sflag:s0] =	ssyncadd.remote.s32 $0x1  }
0xbe: {  	_ =	sfence.sel $0xFFFF  }
0xbf: {  	[dreg:$0x0] =	wrdreg $0xFFFFFFFF;
	(pc) =	sbr.abs _section_cstart, $3  }
0xc0: {  	[dreg:$0x1] =	wrdreg $0xFFFFFFFF  }
0xc1: {  	_ =	task.clear_ibuf [dreg:s6], $0x2FFFF;
	_ =	strace $0x9FFFFFFF  }
0xc2: {  	(tm) =	ssettm $0x7FFFFFFF  }
0xc3: {  	_ =	shalt  }
tec
execute0_lowered:
.L_overlay_start_1:
0x0: {  	(tag) =	ssettag $0x1  }
0x1: {  	s1 =	rddreg [dreg:$0x0]  }
0x2: {  	s2 =	rddreg [dreg:$0x1]  }
0x3: {  	s3 =	rddreg [dreg:$0x2];
	s4 =	stileid.u32  }
0x4: {  	s0 =	rddreg [dreg:$0x3];
	s5 =	simm.s32 $0x0;
	s6 =	sshll.u32 s4, $0x4  }
0x5: {  	[smem:$0x7FF] =	sst s5;
	s6 =	sadd.s32 s6, s1  }
0x6: {  	p0 =	sne.s32 s4, $0x0;
	_ =	strace $0x80000047;
	s6 =	sadd.s32 $0x1A00, s6  }
0x7: {  	[tilespmem:s5], [sflag:$0x1] =	stream.linear.gather [hbm4b:s6+s5], $0x80, $0x38;
	[tilespmem:$0x900] =	vst v63  }
0x8: {  	s6 =	simm.s32 @p0 $0x1  }
0x9: {  	_ =	swait.ge @p0 [sflag:s6], $0x80  }
0xa: {  	s7 =	simm.s32 @p0 $0x8;
	[sflag:s6] =	ssyncset.done @p0 $0x0  }
0xb: {  	s8 =	simm.s32 @p0 $0x0;
	s9 =	simm.s32 @p0 $0x100;
	[sflag:s6] =	ssyncadd.s32 @p0 $0xFFFFFF80  }
0xc: {  	[tilespmem:s9], [sflag:$0x1] =	stream.indirect.gather @p0 [hbm4b:s2+s7], $0x80, s8, s7, $0xb8;
	[tilespmem:$0x900] =	vst v63  }
0xd: {  	s7 =	sadd.s32 $0x1C00, s1;
	s8 =	simm.s32 @!p0 $0x0;
	s9 =	simm.s32 @!p0 $0x80  }
0xe: {  	[tilespmem:s9], [sflag:$0x2] =	stream.linear.gather @!p0 [hbm4b:s7+s8], $0x80, $0x38;
	[tilespmem:$0x900] =	vst v63  }
0xf: {  	s7 =	simm.s32 @!p0 $0x1  }
0x10: {  	_ =	swait.ge @!p0 [sflag:s7], $0x80  }
0x11: {  	[sflag:s7] =	ssyncset.done @!p0 $0x0  }
0x12: {  	s10 =	simm.s32 @!p0 $0x8;
	s11 =	simm.s32 @!p0 $0x100;
	[sflag:s7] =	ssyncadd.s32 @!p0 $0xFFFFFF80  }
0x13: {  	[tilespmem:s11], [sflag:$0x1] =	stream.indirect.gather @!p0 [hbm4b:s2+s10], $0x80, s8, s10, $0xb8;
	[tilespmem:$0x900] =	vst v63  }
0x14: {  	s11 =	simm.s32 @!p0 $0x2  }
0x15: {  	_ =	swait.ge @!p0 [sflag:s11], $0x80  }
0x16: {  	[sflag:s11] =	ssyncset.done @!p0 $0x0  }
0x17: {  	s30 =	simm.s32 $0x1;
	s12 =	simm.s32 @!p0 $0x500;
	[sflag:s11] =	ssyncadd.s32 @!p0 $0xFFFFFF80  }
0x18: {  	[tilespmem:s12], [sflag:$0x2] =	stream.indirect.gather @!p0 [hbm4b:s2+s10], $0x80, s9, s10, $0xb8;
	[tilespmem:$0x900] =	vst v63  }
0x19: {  	s4 =	sshll.u32 s4, $0x7;
	_ =	swait.ge [sflag:s30], $0x400  }
0x1a: {  	s1 =	sadd.s32 s4, s1;
	[sflag:s30] =	ssyncset.done $0x0  }
0x1b: {  	s31 =	simm.s32 $0x100;
	s1 =	sadd.s32 $0x1E00, s1;
	[sflag:s30] =	ssyncadd.s32 $0xFFFFFC00  }
0x1c: {  	[hbm4b:s1+s5] =	stream.linear.scatter [tilespmem:s31], [sflag:$0x1], $0x400, $0x38;
	[tilespmem:$0x900] =	vst v63  }
0x1d: {  	_ =	swait.ge @p0 [sflag:s6], $0x400  }
0x1e: {  	[sflag:s6] =	ssyncset.done @p0 $0x0  }
0x1f: {  	[sflag:s6] =	ssyncadd.s32 @p0 $0xFFFFFC00  }
0x20: {  	_ =	sfence.sel @p0 $0x180000  }
0x21: {  	[bflag:$0x0] =	sbarrier.arrive @p0 $0xFFFF  }
0x22: {  	_ =	strace @p0 $0x90000047  }
0x23: {  	[bflag:$0x2] =	sbarrier.arrive @p0 $0xFFFF  }
0x24: {  	_ =	swait.ge @!p0 [sflag:s11], $0x400  }
0x25: {  	[sflag:s11] =	ssyncset.done @!p0 $0x0  }
0x26: {  	s1 =	simm.s32 @!p0 $0x3;
	[sflag:s11] =	ssyncadd.s32 @!p0 $0xFFFFFC00  }
0x27: {  	[hbm4b:s3+s8] =	stream.linear.scatter @!p0 [tilespmem:s12], [sflag:$0x3], $0x100, $0x38;
	[tilespmem:$0x900] =	vst v63  }
0x28: {  	_ =	swait.ge @!p0 [sflag:s1], $0x100  }
0x29: {  	[sflag:s1] =	ssyncset.done @!p0 $0x0  }
0x2a: {  	[sflag:s1] =	ssyncadd.s32 @!p0 $0xFFFFFF00  }
0x2b: {  	_ =	swait.ge @!p0 [sflag:s7], $0x400  }
0x2c: {  	[sflag:s7] =	ssyncset.done @!p0 $0x0  }
0x2d: {  	[sflag:s7] =	ssyncadd.s32 @!p0 $0xFFFFFC00  }
0x2e: {  	_ =	sfence.sel @!p0 $0x180000  }
0x2f: {  	[bflag:$0x0] =	sbarrier.arrive @!p0 $0xFFFF  }
0x30: {  	_ =	strace @!p0 $0x90000047  }
0x31: {  	s0 =	sadd.s32 @!p0 $0x100000, s0;
	[bflag:$0x2] =	sbarrier.arrive @!p0 $0xFFFF  }
0x32: {  	[sflag:s0] =	ssyncadd.tile.s32 @!p0 $0x1;
	_ =	shalt  }
.Lfunc_end2:
_tile_overlayer_lowered:
.L_overlay_start_2:
0x33: {  	(tag) =	ssettag $0x2  }
0x34: {  	s0 =	rddreg [dreg:$0x0];
	s2 =	stileid.u32  }
0x35: {  	s1 =	rddreg [dreg:$0x1];
	p0 =	sne.s32 s2, $0x0  }
0x36: {  	s3 =	rddreg [dreg:$0x2];
	[bflag:$0x3] =	sbarrier.arrive $0xFFFF;
	s2 =	simm.s32 @!p0 $0x1C03  }
0x37: {  	[timem:s3], [sflag:s2] =	dma.local @!p0 [hbm:s0], s1  }
0x38: {  	s0 =	simm.s32 @!p0 $0x3  }
0x39: {  	_ =	swait.ge @!p0 [sflag:s0], s1  }
0x3a: {  	s1 =	ssub.s32 @!p0 $0x0, s1;
	[sflag:s0] =	ssyncset.done @!p0 $0x0  }
0x3b: {  	[sflag:s0] =	ssyncadd.s32 @!p0 s1  }
0x3c: {  	[bflag:$0x3] =	sbarrier.arrive $0xFFFF  }
0x3d: {  	_ =	shalt  }

</sc_bundles>
